<compile_context>
chip_gen: v7x
topology: tpu7x:2x2x1
jax: 0.10.2.dev20260603
libtpu: 0.0.44.dev20260713+nightly
codegen_flags: <defaults>
</compile_context>

<pallas_src>
import functools

import jax
import jax.numpy as jnp
from jax import lax
from jax.experimental import pallas as pl
from jax.experimental.pallas import tpu as pltpu
from jax.experimental.pallas import tpu_sc as plsc

EMBED = 64
PADW = 128
NC = 2
NS = 16
NW = NC * NS
CHUNK = 128
G = 2


@functools.lru_cache(maxsize=None)
def _gather_call(n_chunks_total: int):
    chunks_per_w = n_chunks_total // NW
    n_groups = chunks_per_w // G
    n_half = n_groups // 2
    assert n_groups % 2 == 0 and n_groups * G == chunks_per_w

    mesh = plsc.VectorSubcoreMesh(core_axis_name="c", subcore_axis_name="s")

    @functools.partial(
        pl.kernel,
        out_type=jax.ShapeDtypeStruct((n_chunks_total, CHUNK, EMBED),
                                      jnp.float32),
        mesh=mesh,
        scratch_types=[
            pltpu.VMEM((chunks_per_w, CHUNK), jnp.int32),
            pltpu.VMEM((G, CHUNK, PADW), jnp.float32),
            pltpu.VMEM((G, CHUNK, PADW), jnp.float32),
            pltpu.SemaphoreType.DMA,
            pltpu.SemaphoreType.DMA,
            pltpu.SemaphoreType.DMA,
            pltpu.SemaphoreType.DMA,
        ],
        compiler_params=pltpu.CompilerParams(use_tc_tiling_on_sc=False),
    )
    def body(idx_hbm, table_hbm, out_hbm, idx_v, buf0, buf1, g0, g1, s0, s1):
        wid = lax.axis_index("s") * NC + lax.axis_index("c")
        base = wid * chunks_per_w
        pltpu.sync_copy(idx_hbm.at[pl.ds(base, chunks_per_w)], idx_v)

        def fire_g(buf, sem, grp):
            for j in range(G):
                pltpu.async_copy(table_hbm.at[idx_v.at[grp * G + j]],
                                 buf.at[j], sem)

        def wait_g(buf, sem, grp):
            for j in range(G):
                pltpu.make_async_copy(table_hbm.at[idx_v.at[grp * G + j]],
                                      buf.at[j], sem).wait()

        def fire_s(buf, sem, grp):
            pltpu.async_copy(buf.at[:, :, pl.ds(0, EMBED)],
                             out_hbm.at[pl.ds(base + grp * G, G)], sem)

        def wait_s(buf, sem, grp):
            pltpu.make_async_copy(buf.at[:, :, pl.ds(0, EMBED)],
                                  out_hbm.at[pl.ds(base + grp * G, G)],
                                  sem).wait()

        fire_g(buf0, g0, 0)

        def step(p, carry):
            wait_g(buf0, g0, 2 * p)

            @pl.when(p > 0)
            def _():
                wait_s(buf1, s1, 2 * p - 1)

            fire_g(buf1, g1, 2 * p + 1)
            fire_s(buf0, s0, 2 * p)

            wait_g(buf1, g1, 2 * p + 1)
            wait_s(buf0, s0, 2 * p)

            @pl.when(p < n_half - 1)
            def _():
                fire_g(buf0, g0, 2 * p + 2)

            fire_s(buf1, s1, 2 * p + 1)
            return carry

        lax.fori_loop(0, n_half, step, 0)
        wait_s(buf1, s1, n_groups - 1)

    return body


def _tableprep_call(vocab: int):
    vblk = 2048

    def body(in_ref, out_ref):
        out_ref[:, 0:EMBED] = jnp.transpose(in_ref[...], (1, 0))
        out_ref[:, EMBED:PADW] = jnp.zeros((vblk, PADW - EMBED), jnp.float32)

    return pl.pallas_call(
        body,
        grid=(pl.cdiv(vocab, vblk),),
        in_specs=[pl.BlockSpec((EMBED, vblk), lambda i: (0, i))],
        out_specs=pl.BlockSpec((vblk, PADW), lambda i: (i, 0)),
        out_shape=jax.ShapeDtypeStruct((vocab, PADW), jnp.float32),
    )


def _relayout_call(batch: int, seq: int):
    def body(in_ref, out_ref):
        out_ref[0] = jnp.transpose(in_ref[...], (1, 0))

    return pl.pallas_call(
        body,
        grid=(seq,),
        in_specs=[pl.BlockSpec((batch, EMBED), lambda i: (i, 0))],
        out_specs=pl.BlockSpec((1, EMBED, batch), lambda i: (i, 0, 0)),
        out_shape=jax.ShapeDtypeStruct((seq, EMBED, batch), jnp.float32),
    )


def kernel(x, table):
    batch, seq = x.shape
    vocab, embed = table.shape
    n_chunks = (batch * seq) // CHUNK
    t2 = _tableprep_call(vocab)(table.T)
    xf = x.astype(jnp.int32).T.reshape(n_chunks, CHUNK)
    flat = _gather_call(n_chunks)(xf, t2)
    flat2 = flat.reshape(batch * seq, EMBED)
    out_sdb = _relayout_call(batch, seq)(flat2)
    return out_sdb.transpose(2, 0, 1)

# --- scband reference (transcript-rebuilt; emitter-appended) ---
"""Pipeline reference for scband-word-embedding-encoder-74655121539606 (READ-ONLY COPY).

The authoritative reference and input builder live on the scoring server;
editing this copy changes nothing except your own understanding.
"""

import jax, jax.numpy as jnp
import numpy as np

VOCAB = 1000000
EMBED_DIM = 64
PAD_INDEX = 0


def setup_inputs(seed: int = 0) -> dict:
    key = jax.random.key(seed)
    k_idx, k_tab = jax.random.split(key)
    x = jax.random.randint(k_idx, (4096, 200), 0, VOCAB, dtype=jnp.int64 if jax.config.read('jax_enable_x64') else jnp.int32)
    # pretrained GloVe-style table; padding row is zeros per nn.Embedding padding_idx convention
    table = jax.random.normal(k_tab, (VOCAB, EMBED_DIM), dtype=jnp.float32)
    table = table.at[PAD_INDEX].set(0.0)
    return {"x": x, "table": table}


def reference(x, table):
    # nn.Embedding forward: row gather from the embedding table
    word_embeds = jnp.take(table, x, axis=0)
    return word_embeds

if __name__ == "__main__":
    import jax
    _d = setup_inputs()
    print(jax.jit(kernel)(*tuple(_d.values())))

</pallas_src>

<mosaic_0001>
#map = affine_map<(d0, d1) -> (0, 0)>
#map1 = affine_map<(d0, d1) -> (0, 0, 0)>
module attributes {stable_mosaic.version = 14 : i64} {
  func.func @body(%arg0: i32, %arg1: i32, %arg2: memref<6400x128xi32, #tpu.memory_space<hbm>>, %arg3: memref<1000000x128xf32, #tpu.memory_space<hbm>>, %arg4: memref<6400x128x64xf32, #tpu.memory_space<hbm>>, %arg5: memref<200x128xi32, #tpu.memory_space<vmem>>, %arg6: memref<2x128x128xf32, #tpu.memory_space<vmem>>, %arg7: memref<2x128x128xf32, #tpu.memory_space<vmem>>, %arg8: memref<!tpu.dma_semaphore, #tpu.memory_space<semaphore_mem>>, %arg9: memref<!tpu.dma_semaphore, #tpu.memory_space<semaphore_mem>>, %arg10: memref<!tpu.dma_semaphore, #tpu.memory_space<semaphore_mem>>, %arg11: memref<!tpu.dma_semaphore, #tpu.memory_space<semaphore_mem>>) attributes {dimension_semantics = [#tpu.dimension_semantics<core_parallel>, #tpu.dimension_semantics<subcore_parallel>], iteration_bounds = array<i64: 2, 16>, scalar_prefetch = 0 : i64, scratch_operands = 7 : i64, tpu.core_type = #tpu.core_type<sc_vector_subcore>, window_params = [{transform_indices = #map}, {transform_indices = #map}, {transform_indices = #map1}]} {
    %mul3A = arith.constant 2 : i32
    %mul3A_0 = arith.muli %arg1, %mul3A : i32
    %add3A = arith.addi %mul3A_0, %arg0 : i32
    %mul3A_1 = arith.constant 200 : i32
    %mul3A_2 = arith.muli %add3A, %mul3A_1 : i32
    "tpu.region"() ({
      %run_scoped3A = tpu.sem_alloc : memref<!tpu.dma_semaphore, #tpu.memory_space<semaphore_mem>>
      %dma_start3A_46 = arith.constant 0 : i32
      %dma_start3A_47 = tpu.memref_slice %arg2[%mul3A_2, %dma_start3A_46] : memref<6400x128xi32, #tpu.memory_space<hbm>> -> memref<200x128xi32, #tpu.memory_space<hbm>>
      %dma_start3A_48 = arith.constant 0 : i32
      %dma_start3A_49 = tpu.memref_slice %arg2[%mul3A_2, %dma_start3A_48] : memref<6400x128xi32, #tpu.memory_space<hbm>> -> memref<200x128xi32, #tpu.memory_space<hbm>>
      tpu.enqueue_dma source(%dma_start3A_49 : memref<200x128xi32, #tpu.memory_space<hbm>>) target(%arg5 : memref<200x128xi32, #tpu.memory_space<vmem>>) target_semaphore(%run_scoped3A : memref<!tpu.dma_semaphore, #tpu.memory_space<semaphore_mem>>)
      %dma_wait3A_50 = arith.constant 0 : i32
      %dma_wait3A_51 = tpu.memref_slice %arg2[%mul3A_2, %dma_wait3A_50] : memref<6400x128xi32, #tpu.memory_space<hbm>> -> memref<200x128xi32, #tpu.memory_space<hbm>>
      %dma_wait3A_52 = arith.constant 0 : i32
      %dma_wait3A_53 = tpu.memref_slice %arg2[%mul3A_2, %dma_wait3A_52] : memref<6400x128xi32, #tpu.memory_space<hbm>> -> memref<200x128xi32, #tpu.memory_space<hbm>>
      tpu.wait_dma2 semaphore(%run_scoped3A : memref<!tpu.dma_semaphore, #tpu.memory_space<semaphore_mem>>) src(%dma_wait3A_53 : memref<200x128xi32, #tpu.memory_space<hbm>>) dst(%arg5 : memref<200x128xi32, #tpu.memory_space<vmem>>)
      tpu.yield
    }) : () -> ()
    %dma_start3A = arith.constant 0 : i32
    %dma_start3A_3 = arith.constant 0 : i32
    %dma_start3A_4 = arith.constant 0 : i32
    %dma_start3A_5 = arith.constant 0 : i32
    %dma_start3A_6 = tpu.memref_slice %arg6[%dma_start3A_3, %dma_start3A_4, %dma_start3A_5] : memref<2x128x128xf32, #tpu.memory_space<vmem>> -> memref<1x128x128xf32, #tpu.memory_space<vmem>>
    %dma_start3A_7 = tpu.memref_squeeze %dma_start3A_6 : memref<1x128x128xf32, #tpu.memory_space<vmem>> -> memref<128x128xf32, #tpu.memory_space<vmem>>
    %dma_start3A_8 = arith.constant 0 : i32
    %dma_start3A_9 = tpu.memref_slice %arg5[%dma_start3A, %dma_start3A_8] : memref<200x128xi32, #tpu.memory_space<vmem>> -> memref<1x128xi32, #tpu.memory_space<vmem>>
    %dma_start3A_10 = tpu.memref_squeeze %dma_start3A_9 : memref<1x128xi32, #tpu.memory_space<vmem>> -> memref<128xi32, #tpu.memory_space<vmem>>
    %dma_start3A_11 = arith.constant 0 : i32
    %dma_start3A_12 = arith.constant 0 : i32
    %dma_start3A_13 = tpu.memref_slice %arg3[%dma_start3A_11, %dma_start3A_12] : memref<1000000x128xf32, #tpu.memory_space<hbm>> -> memref<1000000x128xf32, #tpu.memory_space<hbm>>
    tpu.enqueue_indirect_dma source(%dma_start3A_13 : memref<1000000x128xf32, #tpu.memory_space<hbm>>) target(%dma_start3A_7 : memref<128x128xf32, #tpu.memory_space<vmem>>) offsets(%dma_start3A_10 : memref<128xi32, #tpu.memory_space<vmem>>) semaphore(%arg8 : memref<!tpu.dma_semaphore, #tpu.memory_space<semaphore_mem>>)
    %dma_start3A_14 = arith.constant 1 : i32
    %dma_start3A_15 = arith.constant 1 : i32
    %dma_start3A_16 = arith.constant 0 : i32
    %dma_start3A_17 = arith.constant 0 : i32
    %dma_start3A_18 = tpu.memref_slice %arg6[%dma_start3A_15, %dma_start3A_16, %dma_start3A_17] : memref<2x128x128xf32, #tpu.memory_space<vmem>> -> memref<1x128x128xf32, #tpu.memory_space<vmem>>
    %dma_start3A_19 = tpu.memref_squeeze %dma_start3A_18 : memref<1x128x128xf32, #tpu.memory_space<vmem>> -> memref<128x128xf32, #tpu.memory_space<vmem>>
    %dma_start3A_20 = arith.constant 0 : i32
    %dma_start3A_21 = tpu.memref_slice %arg5[%dma_start3A_14, %dma_start3A_20] : memref<200x128xi32, #tpu.memory_space<vmem>> -> memref<1x128xi32, #tpu.memory_space<vmem>>
    %dma_start3A_22 = tpu.memref_squeeze %dma_start3A_21 : memref<1x128xi32, #tpu.memory_space<vmem>> -> memref<128xi32, #tpu.memory_space<vmem>>
    %dma_start3A_23 = arith.constant 0 : i32
    %dma_start3A_24 = arith.constant 0 : i32
    %dma_start3A_25 = tpu.memref_slice %arg3[%dma_start3A_23, %dma_start3A_24] : memref<1000000x128xf32, #tpu.memory_space<hbm>> -> memref<1000000x128xf32, #tpu.memory_space<hbm>>
    tpu.enqueue_indirect_dma source(%dma_start3A_25 : memref<1000000x128xf32, #tpu.memory_space<hbm>>) target(%dma_start3A_19 : memref<128x128xf32, #tpu.memory_space<vmem>>) offsets(%dma_start3A_22 : memref<128xi32, #tpu.memory_space<vmem>>) semaphore(%arg8 : memref<!tpu.dma_semaphore, #tpu.memory_space<semaphore_mem>>)
    %scan3A = arith.constant 0 : i32
    %scan3A_26 = arith.constant 0 : i32
    %scan3A_27 = arith.constant 50 : i32
    %scan3A_28 = arith.addi %scan3A_26, %scan3A_27 : i32
    %scan3A_29 = arith.constant 1 : i32
    scf.for %scan3A_46 = %scan3A_26 to %scan3A_28 step %scan3A_29  : i32 {
      %mul3A_47 = arith.constant 2 : i32
      %mul3A_48 = arith.muli %mul3A_47, %scan3A_46 : i32
      %mul3A_49 = arith.constant 2 : i32
      %mul3A_50 = arith.muli %mul3A_48, %mul3A_49 : i32
      %add3A_51 = arith.constant 0 : i32
      %add3A_52 = arith.addi %mul3A_50, %add3A_51 : i32
      %dma_wait3A_53 = arith.constant 0 : i32
      %dma_wait3A_54 = arith.constant 0 : i32
      %dma_wait3A_55 = arith.constant 0 : i32
      %dma_wait3A_56 = tpu.memref_slice %arg6[%dma_wait3A_53, %dma_wait3A_54, %dma_wait3A_55] : memref<2x128x128xf32, #tpu.memory_space<vmem>> -> memref<1x128x128xf32, #tpu.memory_space<vmem>>
      %dma_wait3A_57 = tpu.memref_squeeze %dma_wait3A_56 : memref<1x128x128xf32, #tpu.memory_space<vmem>> -> memref<128x128xf32, #tpu.memory_space<vmem>>
      %dma_wait3A_58 = arith.constant 0 : i32
      %dma_wait3A_59 = tpu.memref_slice %arg5[%add3A_52, %dma_wait3A_58] : memref<200x128xi32, #tpu.memory_space<vmem>> -> memref<1x128xi32, #tpu.memory_space<vmem>>
      %dma_wait3A_60 = tpu.memref_squeeze %dma_wait3A_59 : memref<1x128xi32, #tpu.memory_space<vmem>> -> memref<128xi32, #tpu.memory_space<vmem>>
      %dma_wait3A_61 = arith.constant 0 : i32
      %dma_wait3A_62 = arith.constant 0 : i32
      %dma_wait3A_63 = tpu.memref_slice %arg3[%dma_wait3A_61, %dma_wait3A_62] : memref<1000000x128xf32, #tpu.memory_space<hbm>> -> memref<1000000x128xf32, #tpu.memory_space<hbm>>
      tpu.wait_indirect_dma semaphore(%arg8 : memref<!tpu.dma_semaphore, #tpu.memory_space<semaphore_mem>>) src(%dma_wait3A_63 : memref<1000000x128xf32, #tpu.memory_space<hbm>>) dst(%dma_wait3A_57 : memref<128x128xf32, #tpu.memory_space<vmem>>)
      %mul3A_64 = arith.constant 2 : i32
      %mul3A_65 = arith.muli %mul3A_48, %mul3A_64 : i32
      %add3A_66 = arith.constant 1 : i32
      %add3A_67 = arith.addi %mul3A_65, %add3A_66 : i32
      %dma_wait3A_68 = arith.constant 1 : i32
      %dma_wait3A_69 = arith.constant 0 : i32
      %dma_wait3A_70 = arith.constant 0 : i32
      %dma_wait3A_71 = tpu.memref_slice %arg6[%dma_wait3A_68, %dma_wait3A_69, %dma_wait3A_70] : memref<2x128x128xf32, #tpu.memory_space<vmem>> -> memref<1x128x128xf32, #tpu.memory_space<vmem>>
      %dma_wait3A_72 = tpu.memref_squeeze %dma_wait3A_71 : memref<1x128x128xf32, #tpu.memory_space<vmem>> -> memref<128x128xf32, #tpu.memory_space<vmem>>
      %dma_wait3A_73 = arith.constant 0 : i32
      %dma_wait3A_74 = tpu.memref_slice %arg5[%add3A_67, %dma_wait3A_73] : memref<200x128xi32, #tpu.memory_space<vmem>> -> memref<1x128xi32, #tpu.memory_space<vmem>>
      %dma_wait3A_75 = tpu.memref_squeeze %dma_wait3A_74 : memref<1x128xi32, #tpu.memory_space<vmem>> -> memref<128xi32, #tpu.memory_space<vmem>>
      %dma_wait3A_76 = arith.constant 0 : i32
      %dma_wait3A_77 = arith.constant 0 : i32
      %dma_wait3A_78 = tpu.memref_slice %arg3[%dma_wait3A_76, %dma_wait3A_77] : memref<1000000x128xf32, #tpu.memory_space<hbm>> -> memref<1000000x128xf32, #tpu.memory_space<hbm>>
      tpu.wait_indirect_dma semaphore(%arg8 : memref<!tpu.dma_semaphore, #tpu.memory_space<semaphore_mem>>) src(%dma_wait3A_78 : memref<1000000x128xf32, #tpu.memory_space<hbm>>) dst(%dma_wait3A_72 : memref<128x128xf32, #tpu.memory_space<vmem>>)
      %gt3A = arith.constant 0 : i32
      %gt3A_79 = arith.cmpi sgt, %scan3A_46, %gt3A : i32
      %convert_element_type3A = arith.extui %gt3A_79 : i1 to i32
      %cond3A = arith.constant 0 : i32
      %cond3A_80 = arith.cmpi ne, %convert_element_type3A, %cond3A : i32
      scf.if %cond3A_80 {
        %mul3A_212 = arith.constant 2 : i32
        %mul3A_213 = arith.muli %mul3A_212, %scan3A_46 : i32
        %sub3A = arith.constant 1 : i32
        %sub3A_214 = arith.subi %mul3A_213, %sub3A : i32
        %mul3A_215 = arith.constant 2 : i32
        %mul3A_216 = arith.muli %sub3A_214, %mul3A_215 : i32
        %add3A_217 = arith.addi %mul3A_2, %mul3A_216 : i32
        %dma_wait3A_218 = arith.constant 0 : i32
        %dma_wait3A_219 = arith.constant 0 : i32
        %dma_wait3A_220 = arith.constant 0 : i32
        %dma_wait3A_221 = tpu.memref_slice %arg7[%dma_wait3A_218, %dma_wait3A_219, %dma_wait3A_220] : memref<2x128x128xf32, #tpu.memory_space<vmem>> -> memref<2x128x64xf32, #tpu.memory_space<vmem>>
        %dma_wait3A_222 = arith.constant 0 : i32
        %dma_wait3A_223 = arith.constant 0 : i32
        %dma_wait3A_224 = tpu.memref_slice %arg4[%add3A_217, %dma_wait3A_222, %dma_wait3A_223] : memref<6400x128x64xf32, #tpu.memory_space<hbm>> -> memref<2x128x64xf32, #tpu.memory_space<hbm>>
        %dma_wait3A_225 = arith.constant 0 : i32
        %dma_wait3A_226 = arith.constant 0 : i32
        %dma_wait3A_227 = tpu.memref_slice %arg4[%add3A_217, %dma_wait3A_225, %dma_wait3A_226] : memref<6400x128x64xf32, #tpu.memory_space<hbm>> -> memref<2x128x64xf32, #tpu.memory_space<hbm>>
        %dma_wait3A_228 = arith.constant 0 : i32
        %dma_wait3A_229 = arith.constant 0 : i32
        %dma_wait3A_230 = arith.constant 0 : i32
        %dma_wait3A_231 = tpu.memref_slice %arg7[%dma_wait3A_228, %dma_wait3A_229, %dma_wait3A_230] : memref<2x128x128xf32, #tpu.memory_space<vmem>> -> memref<2x128x64xf32, #tpu.memory_space<vmem>>
        tpu.wait_dma2 semaphore(%arg11 : memref<!tpu.dma_semaphore, #tpu.memory_space<semaphore_mem>>) src(%dma_wait3A_231 : memref<2x128x64xf32, #tpu.memory_space<vmem>>) dst(%dma_wait3A_227 : memref<2x128x64xf32, #tpu.memory_space<hbm>>)
      } else {
      }
      %mul3A_81 = arith.constant 2 : i32
      %mul3A_82 = arith.muli %mul3A_81, %scan3A_46 : i32
      %add3A_83 = arith.constant 1 : i32
      %add3A_84 = arith.addi %mul3A_82, %add3A_83 : i32
      %mul3A_85 = arith.constant 2 : i32
      %mul3A_86 = arith.muli %add3A_84, %mul3A_85 : i32
      %add3A_87 = arith.constant 0 : i32
      %add3A_88 = arith.addi %mul3A_86, %add3A_87 : i32
      %dma_start3A_89 = arith.constant 0 : i32
      %dma_start3A_90 = arith.constant 0 : i32
      %dma_start3A_91 = arith.constant 0 : i32
      %dma_start3A_92 = tpu.memref_slice %arg7[%dma_start3A_89, %dma_start3A_90, %dma_start3A_91] : memref<2x128x128xf32, #tpu.memory_space<vmem>> -> memref<1x128x128xf32, #tpu.memory_space<vmem>>
      %dma_start3A_93 = tpu.memref_squeeze %dma_start3A_92 : memref<1x128x128xf32, #tpu.memory_space<vmem>> -> memref<128x128xf32, #tpu.memory_space<vmem>>
      %dma_start3A_94 = arith.constant 0 : i32
      %dma_start3A_95 = tpu.memref_slice %arg5[%add3A_88, %dma_start3A_94] : memref<200x128xi32, #tpu.memory_space<vmem>> -> memref<1x128xi32, #tpu.memory_space<vmem>>
      %dma_start3A_96 = tpu.memref_squeeze %dma_start3A_95 : memref<1x128xi32, #tpu.memory_space<vmem>> -> memref<128xi32, #tpu.memory_space<vmem>>
      %dma_start3A_97 = arith.constant 0 : i32
      %dma_start3A_98 = arith.constant 0 : i32
      %dma_start3A_99 = tpu.memref_slice %arg3[%dma_start3A_97, %dma_start3A_98] : memref<1000000x128xf32, #tpu.memory_space<hbm>> -> memref<1000000x128xf32, #tpu.memory_space<hbm>>
      tpu.enqueue_indirect_dma source(%dma_start3A_99 : memref<1000000x128xf32, #tpu.memory_space<hbm>>) target(%dma_start3A_93 : memref<128x128xf32, #tpu.memory_space<vmem>>) offsets(%dma_start3A_96 : memref<128xi32, #tpu.memory_space<vmem>>) semaphore(%arg9 : memref<!tpu.dma_semaphore, #tpu.memory_space<semaphore_mem>>)
      %mul3A_100 = arith.constant 2 : i32
      %mul3A_101 = arith.muli %add3A_84, %mul3A_100 : i32
      %add3A_102 = arith.constant 1 : i32
      %add3A_103 = arith.addi %mul3A_101, %add3A_102 : i32
      %dma_start3A_104 = arith.constant 1 : i32
      %dma_start3A_105 = arith.constant 0 : i32
      %dma_start3A_106 = arith.constant 0 : i32
      %dma_start3A_107 = tpu.memref_slice %arg7[%dma_start3A_104, %dma_start3A_105, %dma_start3A_106] : memref<2x128x128xf32, #tpu.memory_space<vmem>> -> memref<1x128x128xf32, #tpu.memory_space<vmem>>
      %dma_start3A_108 = tpu.memref_squeeze %dma_start3A_107 : memref<1x128x128xf32, #tpu.memory_space<vmem>> -> memref<128x128xf32, #tpu.memory_space<vmem>>
      %dma_start3A_109 = arith.constant 0 : i32
      %dma_start3A_110 = tpu.memref_slice %arg5[%add3A_103, %dma_start3A_109] : memref<200x128xi32, #tpu.memory_space<vmem>> -> memref<1x128xi32, #tpu.memory_space<vmem>>
      %dma_start3A_111 = tpu.memref_squeeze %dma_start3A_110 : memref<1x128xi32, #tpu.memory_space<vmem>> -> memref<128xi32, #tpu.memory_space<vmem>>
      %dma_start3A_112 = arith.constant 0 : i32
      %dma_start3A_113 = arith.constant 0 : i32
      %dma_start3A_114 = tpu.memref_slice %arg3[%dma_start3A_112, %dma_start3A_113] : memref<1000000x128xf32, #tpu.memory_space<hbm>> -> memref<1000000x128xf32, #tpu.memory_space<hbm>>
      tpu.enqueue_indirect_dma source(%dma_start3A_114 : memref<1000000x128xf32, #tpu.memory_space<hbm>>) target(%dma_start3A_108 : memref<128x128xf32, #tpu.memory_space<vmem>>) offsets(%dma_start3A_111 : memref<128xi32, #tpu.memory_space<vmem>>) semaphore(%arg9 : memref<!tpu.dma_semaphore, #tpu.memory_space<semaphore_mem>>)
      %mul3A_115 = arith.constant 2 : i32
      %mul3A_116 = arith.muli %mul3A_115, %scan3A_46 : i32
      %mul3A_117 = arith.constant 2 : i32
      %mul3A_118 = arith.muli %mul3A_116, %mul3A_117 : i32
      %add3A_119 = arith.addi %mul3A_2, %mul3A_118 : i32
      %dma_start3A_120 = arith.constant 0 : i32
      %dma_start3A_121 = arith.constant 0 : i32
      %dma_start3A_122 = arith.constant 0 : i32
      %dma_start3A_123 = tpu.memref_slice %arg6[%dma_start3A_120, %dma_start3A_121, %dma_start3A_122] : memref<2x128x128xf32, #tpu.memory_space<vmem>> -> memref<2x128x64xf32, #tpu.memory_space<vmem>>
      %dma_start3A_124 = arith.constant 0 : i32
      %dma_start3A_125 = arith.constant 0 : i32
      %dma_start3A_126 = tpu.memref_slice %arg4[%add3A_119, %dma_start3A_124, %dma_start3A_125] : memref<6400x128x64xf32, #tpu.memory_space<hbm>> -> memref<2x128x64xf32, #tpu.memory_space<hbm>>
      %dma_start3A_127 = arith.constant 0 : i32
      %dma_start3A_128 = arith.constant 0 : i32
      %dma_start3A_129 = tpu.memref_slice %arg4[%add3A_119, %dma_start3A_127, %dma_start3A_128] : memref<6400x128x64xf32, #tpu.memory_space<hbm>> -> memref<2x128x64xf32, #tpu.memory_space<hbm>>
      %dma_start3A_130 = arith.constant 0 : i32
      %dma_start3A_131 = arith.constant 0 : i32
      %dma_start3A_132 = arith.constant 0 : i32
      %dma_start3A_133 = tpu.memref_slice %arg6[%dma_start3A_130, %dma_start3A_131, %dma_start3A_132] : memref<2x128x128xf32, #tpu.memory_space<vmem>> -> memref<2x128x64xf32, #tpu.memory_space<vmem>>
      tpu.enqueue_dma source(%dma_start3A_133 : memref<2x128x64xf32, #tpu.memory_space<vmem>>) target(%dma_start3A_129 : memref<2x128x64xf32, #tpu.memory_space<hbm>>) target_semaphore(%arg10 : memref<!tpu.dma_semaphore, #tpu.memory_space<semaphore_mem>>)
      %mul3A_134 = arith.constant 2 : i32
      %mul3A_135 = arith.muli %mul3A_134, %scan3A_46 : i32
      %add3A_136 = arith.constant 1 : i32
      %add3A_137 = arith.addi %mul3A_135, %add3A_136 : i32
      %mul3A_138 = arith.constant 2 : i32
      %mul3A_139 = arith.muli %add3A_137, %mul3A_138 : i32
      %add3A_140 = arith.constant 0 : i32
      %add3A_141 = arith.addi %mul3A_139, %add3A_140 : i32
      %dma_wait3A_142 = arith.constant 0 : i32
      %dma_wait3A_143 = arith.constant 0 : i32
      %dma_wait3A_144 = arith.constant 0 : i32
      %dma_wait3A_145 = tpu.memref_slice %arg7[%dma_wait3A_142, %dma_wait3A_143, %dma_wait3A_144] : memref<2x128x128xf32, #tpu.memory_space<vmem>> -> memref<1x128x128xf32, #tpu.memory_space<vmem>>
      %dma_wait3A_146 = tpu.memref_squeeze %dma_wait3A_145 : memref<1x128x128xf32, #tpu.memory_space<vmem>> -> memref<128x128xf32, #tpu.memory_space<vmem>>
      %dma_wait3A_147 = arith.constant 0 : i32
      %dma_wait3A_148 = tpu.memref_slice %arg5[%add3A_141, %dma_wait3A_147] : memref<200x128xi32, #tpu.memory_space<vmem>> -> memref<1x128xi32, #tpu.memory_space<vmem>>
      %dma_wait3A_149 = tpu.memref_squeeze %dma_wait3A_148 : memref<1x128xi32, #tpu.memory_space<vmem>> -> memref<128xi32, #tpu.memory_space<vmem>>
      %dma_wait3A_150 = arith.constant 0 : i32
      %dma_wait3A_151 = arith.constant 0 : i32
      %dma_wait3A_152 = tpu.memref_slice %arg3[%dma_wait3A_150, %dma_wait3A_151] : memref<1000000x128xf32, #tpu.memory_space<hbm>> -> memref<1000000x128xf32, #tpu.memory_space<hbm>>
      tpu.wait_indirect_dma semaphore(%arg9 : memref<!tpu.dma_semaphore, #tpu.memory_space<semaphore_mem>>) src(%dma_wait3A_152 : memref<1000000x128xf32, #tpu.memory_space<hbm>>) dst(%dma_wait3A_146 : memref<128x128xf32, #tpu.memory_space<vmem>>)
      %mul3A_153 = arith.constant 2 : i32
      %mul3A_154 = arith.muli %add3A_137, %mul3A_153 : i32
      %add3A_155 = arith.constant 1 : i32
      %add3A_156 = arith.addi %mul3A_154, %add3A_155 : i32
      %dma_wait3A_157 = arith.constant 1 : i32
      %dma_wait3A_158 = arith.constant 0 : i32
      %dma_wait3A_159 = arith.constant 0 : i32
      %dma_wait3A_160 = tpu.memref_slice %arg7[%dma_wait3A_157, %dma_wait3A_158, %dma_wait3A_159] : memref<2x128x128xf32, #tpu.memory_space<vmem>> -> memref<1x128x128xf32, #tpu.memory_space<vmem>>
      %dma_wait3A_161 = tpu.memref_squeeze %dma_wait3A_160 : memref<1x128x128xf32, #tpu.memory_space<vmem>> -> memref<128x128xf32, #tpu.memory_space<vmem>>
      %dma_wait3A_162 = arith.constant 0 : i32
      %dma_wait3A_163 = tpu.memref_slice %arg5[%add3A_156, %dma_wait3A_162] : memref<200x128xi32, #tpu.memory_space<vmem>> -> memref<1x128xi32, #tpu.memory_space<vmem>>
      %dma_wait3A_164 = tpu.memref_squeeze %dma_wait3A_163 : memref<1x128xi32, #tpu.memory_space<vmem>> -> memref<128xi32, #tpu.memory_space<vmem>>
      %dma_wait3A_165 = arith.constant 0 : i32
      %dma_wait3A_166 = arith.constant 0 : i32
      %dma_wait3A_167 = tpu.memref_slice %arg3[%dma_wait3A_165, %dma_wait3A_166] : memref<1000000x128xf32, #tpu.memory_space<hbm>> -> memref<1000000x128xf32, #tpu.memory_space<hbm>>
      tpu.wait_indirect_dma semaphore(%arg9 : memref<!tpu.dma_semaphore, #tpu.memory_space<semaphore_mem>>) src(%dma_wait3A_167 : memref<1000000x128xf32, #tpu.memory_space<hbm>>) dst(%dma_wait3A_161 : memref<128x128xf32, #tpu.memory_space<vmem>>)
      %mul3A_168 = arith.constant 2 : i32
      %mul3A_169 = arith.muli %mul3A_168, %scan3A_46 : i32
      %mul3A_170 = arith.constant 2 : i32
      %mul3A_171 = arith.muli %mul3A_169, %mul3A_170 : i32
      %add3A_172 = arith.addi %mul3A_2, %mul3A_171 : i32
      %dma_wait3A_173 = arith.constant 0 : i32
      %dma_wait3A_174 = arith.constant 0 : i32
      %dma_wait3A_175 = arith.constant 0 : i32
      %dma_wait3A_176 = tpu.memref_slice %arg6[%dma_wait3A_173, %dma_wait3A_174, %dma_wait3A_175] : memref<2x128x128xf32, #tpu.memory_space<vmem>> -> memref<2x128x64xf32, #tpu.memory_space<vmem>>
      %dma_wait3A_177 = arith.constant 0 : i32
      %dma_wait3A_178 = arith.constant 0 : i32
      %dma_wait3A_179 = tpu.memref_slice %arg4[%add3A_172, %dma_wait3A_177, %dma_wait3A_178] : memref<6400x128x64xf32, #tpu.memory_space<hbm>> -> memref<2x128x64xf32, #tpu.memory_space<hbm>>
      %dma_wait3A_180 = arith.constant 0 : i32
      %dma_wait3A_181 = arith.constant 0 : i32
      %dma_wait3A_182 = tpu.memref_slice %arg4[%add3A_172, %dma_wait3A_180, %dma_wait3A_181] : memref<6400x128x64xf32, #tpu.memory_space<hbm>> -> memref<2x128x64xf32, #tpu.memory_space<hbm>>
      %dma_wait3A_183 = arith.constant 0 : i32
      %dma_wait3A_184 = arith.constant 0 : i32
      %dma_wait3A_185 = arith.constant 0 : i32
      %dma_wait3A_186 = tpu.memref_slice %arg6[%dma_wait3A_183, %dma_wait3A_184, %dma_wait3A_185] : memref<2x128x128xf32, #tpu.memory_space<vmem>> -> memref<2x128x64xf32, #tpu.memory_space<vmem>>
      tpu.wait_dma2 semaphore(%arg10 : memref<!tpu.dma_semaphore, #tpu.memory_space<semaphore_mem>>) src(%dma_wait3A_186 : memref<2x128x64xf32, #tpu.memory_space<vmem>>) dst(%dma_wait3A_182 : memref<2x128x64xf32, #tpu.memory_space<hbm>>)
      %lt3A = arith.constant 49 : i32
      %lt3A_187 = arith.cmpi slt, %scan3A_46, %lt3A : i32
      %convert_element_type3A_188 = arith.extui %lt3A_187 : i1 to i32
      %cond3A_189 = arith.constant 0 : i32
      %cond3A_190 = arith.cmpi ne, %convert_element_type3A_188, %cond3A_189 : i32
      scf.if %cond3A_190 {
        %mul3A_212 = arith.constant 2 : i32
        %mul3A_213 = arith.muli %mul3A_212, %scan3A_46 : i32
        %add3A_214 = arith.constant 2 : i32
        %add3A_215 = arith.addi %mul3A_213, %add3A_214 : i32
        %mul3A_216 = arith.constant 2 : i32
        %mul3A_217 = arith.muli %add3A_215, %mul3A_216 : i32
        %add3A_218 = arith.constant 0 : i32
        %add3A_219 = arith.addi %mul3A_217, %add3A_218 : i32
        %dma_start3A_220 = arith.constant 0 : i32
        %dma_start3A_221 = arith.constant 0 : i32
        %dma_start3A_222 = arith.constant 0 : i32
        %dma_start3A_223 = tpu.memref_slice %arg6[%dma_start3A_220, %dma_start3A_221, %dma_start3A_222] : memref<2x128x128xf32, #tpu.memory_space<vmem>> -> memref<1x128x128xf32, #tpu.memory_space<vmem>>
        %dma_start3A_224 = tpu.memref_squeeze %dma_start3A_223 : memref<1x128x128xf32, #tpu.memory_space<vmem>> -> memref<128x128xf32, #tpu.memory_space<vmem>>
        %dma_start3A_225 = arith.constant 0 : i32
        %dma_start3A_226 = tpu.memref_slice %arg5[%add3A_219, %dma_start3A_225] : memref<200x128xi32, #tpu.memory_space<vmem>> -> memref<1x128xi32, #tpu.memory_space<vmem>>
        %dma_start3A_227 = tpu.memref_squeeze %dma_start3A_226 : memref<1x128xi32, #tpu.memory_space<vmem>> -> memref<128xi32, #tpu.memory_space<vmem>>
        %dma_start3A_228 = arith.constant 0 : i32
        %dma_start3A_229 = arith.constant 0 : i32
        %dma_start3A_230 = tpu.memref_slice %arg3[%dma_start3A_228, %dma_start3A_229] : memref<1000000x128xf32, #tpu.memory_space<hbm>> -> memref<1000000x128xf32, #tpu.memory_space<hbm>>
        tpu.enqueue_indirect_dma source(%dma_start3A_230 : memref<1000000x128xf32, #tpu.memory_space<hbm>>) target(%dma_start3A_224 : memref<128x128xf32, #tpu.memory_space<vmem>>) offsets(%dma_start3A_227 : memref<128xi32, #tpu.memory_space<vmem>>) semaphore(%arg8 : memref<!tpu.dma_semaphore, #tpu.memory_space<semaphore_mem>>)
        %mul3A_231 = arith.constant 2 : i32
        %mul3A_232 = arith.muli %add3A_215, %mul3A_231 : i32
        %add3A_233 = arith.constant 1 : i32
        %add3A_234 = arith.addi %mul3A_232, %add3A_233 : i32
        %dma_start3A_235 = arith.constant 1 : i32
        %dma_start3A_236 = arith.constant 0 : i32
        %dma_start3A_237 = arith.constant 0 : i32
        %dma_start3A_238 = tpu.memref_slice %arg6[%dma_start3A_235, %dma_start3A_236, %dma_start3A_237] : memref<2x128x128xf32, #tpu.memory_space<vmem>> -> memref<1x128x128xf32, #tpu.memory_space<vmem>>
        %dma_start3A_239 = tpu.memref_squeeze %dma_start3A_238 : memref<1x128x128xf32, #tpu.memory_space<vmem>> -> memref<128x128xf32, #tpu.memory_space<vmem>>
        %dma_start3A_240 = arith.constant 0 : i32
        %dma_start3A_241 = tpu.memref_slice %arg5[%add3A_234, %dma_start3A_240] : memref<200x128xi32, #tpu.memory_space<vmem>> -> memref<1x128xi32, #tpu.memory_space<vmem>>
        %dma_start3A_242 = tpu.memref_squeeze %dma_start3A_241 : memref<1x128xi32, #tpu.memory_space<vmem>> -> memref<128xi32, #tpu.memory_space<vmem>>
        %dma_start3A_243 = arith.constant 0 : i32
        %dma_start3A_244 = arith.constant 0 : i32
        %dma_start3A_245 = tpu.memref_slice %arg3[%dma_start3A_243, %dma_start3A_244] : memref<1000000x128xf32, #tpu.memory_space<hbm>> -> memref<1000000x128xf32, #tpu.memory_space<hbm>>
        tpu.enqueue_indirect_dma source(%dma_start3A_245 : memref<1000000x128xf32, #tpu.memory_space<hbm>>) target(%dma_start3A_239 : memref<128x128xf32, #tpu.memory_space<vmem>>) offsets(%dma_start3A_242 : memref<128xi32, #tpu.memory_space<vmem>>) semaphore(%arg8 : memref<!tpu.dma_semaphore, #tpu.memory_space<semaphore_mem>>)
      } else {
      }
      %mul3A_191 = arith.constant 2 : i32
      %mul3A_192 = arith.muli %mul3A_191, %scan3A_46 : i32
      %add3A_193 = arith.constant 1 : i32
      %add3A_194 = arith.addi %mul3A_192, %add3A_193 : i32
      %mul3A_195 = arith.constant 2 : i32
      %mul3A_196 = arith.muli %add3A_194, %mul3A_195 : i32
      %add3A_197 = arith.addi %mul3A_2, %mul3A_196 : i32
      %dma_start3A_198 = arith.constant 0 : i32
      %dma_start3A_199 = arith.constant 0 : i32
      %dma_start3A_200 = arith.constant 0 : i32
      %dma_start3A_201 = tpu.memref_slice %arg7[%dma_start3A_198, %dma_start3A_199, %dma_start3A_200] : memref<2x128x128xf32, #tpu.memory_space<vmem>> -> memref<2x128x64xf32, #tpu.memory_space<vmem>>
      %dma_start3A_202 = arith.constant 0 : i32
      %dma_start3A_203 = arith.constant 0 : i32
      %dma_start3A_204 = tpu.memref_slice %arg4[%add3A_197, %dma_start3A_202, %dma_start3A_203] : memref<6400x128x64xf32, #tpu.memory_space<hbm>> -> memref<2x128x64xf32, #tpu.memory_space<hbm>>
      %dma_start3A_205 = arith.constant 0 : i32
      %dma_start3A_206 = arith.constant 0 : i32
      %dma_start3A_207 = tpu.memref_slice %arg4[%add3A_197, %dma_start3A_205, %dma_start3A_206] : memref<6400x128x64xf32, #tpu.memory_space<hbm>> -> memref<2x128x64xf32, #tpu.memory_space<hbm>>
      %dma_start3A_208 = arith.constant 0 : i32
      %dma_start3A_209 = arith.constant 0 : i32
      %dma_start3A_210 = arith.constant 0 : i32
      %dma_start3A_211 = tpu.memref_slice %arg7[%dma_start3A_208, %dma_start3A_209, %dma_start3A_210] : memref<2x128x128xf32, #tpu.memory_space<vmem>> -> memref<2x128x64xf32, #tpu.memory_space<vmem>>
      tpu.enqueue_dma source(%dma_start3A_211 : memref<2x128x64xf32, #tpu.memory_space<vmem>>) target(%dma_start3A_207 : memref<2x128x64xf32, #tpu.memory_space<hbm>>) target_semaphore(%arg11 : memref<!tpu.dma_semaphore, #tpu.memory_space<semaphore_mem>>)
    }
    %scan3A_30 = arith.constant 50 : i32
    %add3A_31 = arith.constant 198 : i32
    %add3A_32 = arith.addi %mul3A_2, %add3A_31 : i32
    %dma_wait3A = arith.constant 0 : i32
    %dma_wait3A_33 = arith.constant 0 : i32
    %dma_wait3A_34 = arith.constant 0 : i32
    %dma_wait3A_35 = tpu.memref_slice %arg7[%dma_wait3A, %dma_wait3A_33, %dma_wait3A_34] : memref<2x128x128xf32, #tpu.memory_space<vmem>> -> memref<2x128x64xf32, #tpu.memory_space<vmem>>
    %dma_wait3A_36 = arith.constant 0 : i32
    %dma_wait3A_37 = arith.constant 0 : i32
    %dma_wait3A_38 = tpu.memref_slice %arg4[%add3A_32, %dma_wait3A_36, %dma_wait3A_37] : memref<6400x128x64xf32, #tpu.memory_space<hbm>> -> memref<2x128x64xf32, #tpu.memory_space<hbm>>
    %dma_wait3A_39 = arith.constant 0 : i32
    %dma_wait3A_40 = arith.constant 0 : i32
    %dma_wait3A_41 = tpu.memref_slice %arg4[%add3A_32, %dma_wait3A_39, %dma_wait3A_40] : memref<6400x128x64xf32, #tpu.memory_space<hbm>> -> memref<2x128x64xf32, #tpu.memory_space<hbm>>
    %dma_wait3A_42 = arith.constant 0 : i32
    %dma_wait3A_43 = arith.constant 0 : i32
    %dma_wait3A_44 = arith.constant 0 : i32
    %dma_wait3A_45 = tpu.memref_slice %arg7[%dma_wait3A_42, %dma_wait3A_43, %dma_wait3A_44] : memref<2x128x128xf32, #tpu.memory_space<vmem>> -> memref<2x128x64xf32, #tpu.memory_space<vmem>>
    tpu.wait_dma2 semaphore(%arg11 : memref<!tpu.dma_semaphore, #tpu.memory_space<semaphore_mem>>) src(%dma_wait3A_45 : memref<2x128x64xf32, #tpu.memory_space<vmem>>) dst(%dma_wait3A_41 : memref<2x128x64xf32, #tpu.memory_space<hbm>>)
    return
  }
}

module attributes {stable_mosaic.version = 14 : i64} {
  func.func @body(%arg0: i32, %arg1: memref<64x2048xf32, #tpu.memory_space<vmem>>, %arg2: memref<2048x128xf32, #tpu.memory_space<vmem>>) attributes {dimension_semantics = [#tpu.dimension_semantics<arbitrary>], iteration_bounds = array<i64: 489>, scalar_prefetch = 0 : i64, scratch_operands = 0 : i64, tpu.core_type = #tpu.core_type<tc>, window_params = [{transform_indices = @transform_0, window_bounds = array<i64: 64, 2048>}, {transform_indices = @transform_1, window_bounds = array<i64: 2048, 128>}]} {
    %get3A = arith.constant 0 : index
    %get3A_0 = arith.constant 0 : index
    %get3A_1 = vector.load %arg1[%get3A, %get3A_0] : memref<64x2048xf32, #tpu.memory_space<vmem>>, vector<64x2048xf32>
    %transpose3A = tpu.transpose %get3A_1, [1, 0] : vector<64x2048xf32> -> vector<2048x64xf32>
    %swap3A = arith.constant 0 : index
    %swap3A_2 = arith.constant 0 : index
    %swap3A_3 = vector.load %arg2[%swap3A, %swap3A_2] : memref<2048x128xf32, #tpu.memory_space<vmem>>, vector<2048x64xf32>
    tpu.vector_store %arg2[%swap3A, %swap3A_2], %transpose3A {strides = array<i32>} : memref<2048x128xf32, #tpu.memory_space<vmem>>, vector<2048x64xf32>,
    %broadcast_in_dim3A = arith.constant 0.000000e+00 : f32
    %broadcast_in_dim3A_4 = vector.broadcast %broadcast_in_dim3A : f32 to vector<2048x64xf32>
    %swap3A_5 = arith.constant 0 : index
    %swap3A_6 = arith.constant 64 : index
    %swap3A_7 = vector.load %arg2[%swap3A_5, %swap3A_6] : memref<2048x128xf32, #tpu.memory_space<vmem>>, vector<2048x64xf32>
    tpu.vector_store %arg2[%swap3A_5, %swap3A_6], %broadcast_in_dim3A_4 {strides = array<i32>} : memref<2048x128xf32, #tpu.memory_space<vmem>>, vector<2048x64xf32>,
    return
  }
  func.func @transform_0(%arg0: i32) -> (i32, i32) {
    %c0_i32 = arith.constant 0 : i32
    %c0_i32_0 = arith.constant 0 : i32
    return %c0_i32, %arg0 : i32, i32
  }
  func.func @transform_1(%arg0: i32) -> (i32, i32) {
    %c0_i32 = arith.constant 0 : i32
    %c0_i32_0 = arith.constant 0 : i32
    return %arg0, %c0_i32 : i32, i32
  }
}

module attributes {stable_mosaic.version = 14 : i64} {
  func.func @body(%arg0: i32, %arg1: memref<4096x64xf32, #tpu.memory_space<vmem>>, %arg2: memref<1x64x4096xf32, #tpu.memory_space<vmem>>) attributes {dimension_semantics = [#tpu.dimension_semantics<arbitrary>], iteration_bounds = array<i64: 200>, scalar_prefetch = 0 : i64, scratch_operands = 0 : i64, tpu.core_type = #tpu.core_type<tc>, window_params = [{transform_indices = @transform_0, window_bounds = array<i64: 4096, 64>}, {transform_indices = @transform_1, window_bounds = array<i64: 1, 64, 4096>}]} {
    %get3A = arith.constant 0 : index
    %get3A_0 = arith.constant 0 : index
    %get3A_1 = vector.load %arg1[%get3A, %get3A_0] : memref<4096x64xf32, #tpu.memory_space<vmem>>, vector<4096x64xf32>
    %transpose3A = tpu.transpose %get3A_1, [1, 0] : vector<4096x64xf32> -> vector<64x4096xf32>
    %swap3A = arith.constant 0 : index
    %swap3A_2 = arith.constant 0 : index
    %swap3A_3 = arith.constant 0 : index
    %swap3A_4 = vector.load %arg2[%swap3A, %swap3A_2, %swap3A_3] : memref<1x64x4096xf32, #tpu.memory_space<vmem>>, vector<1x64x4096xf32>
    %swap3A_5 = vector.shape_cast %swap3A_4 : vector<1x64x4096xf32> to vector<64x4096xf32>
    %swap3A_6 = vector.shape_cast %transpose3A : vector<64x4096xf32> to vector<1x64x4096xf32>
    tpu.vector_store %arg2[%swap3A, %swap3A_2, %swap3A_3], %swap3A_6 {strides = array<i32>} : memref<1x64x4096xf32, #tpu.memory_space<vmem>>, vector<1x64x4096xf32>,
    return
  }
  func.func @transform_0(%arg0: i32) -> (i32, i32) {
    %c0_i32 = arith.constant 0 : i32
    %c0_i32_0 = arith.constant 0 : i32
    return %arg0, %c0_i32 : i32, i32
  }
  func.func @transform_1(%arg0: i32) -> (i32, i32, i32) {
    %c0_i32 = arith.constant 0 : i32
    %c0_i32_0 = arith.constant 0 : i32
    %c0_i32_1 = arith.constant 0 : i32
    return %arg0, %c0_i32, %c0_i32_0 : i32, i32, i32
  }
}

</mosaic_0001>

<sc_bundles>
// kernel: kernel.5.cloned.1.call-start
scs
__scs_entry_jumppad:
0x0: {  	(pc) =	sbr.rel $0x88, $3  }
0x1: {  	(tag) =	ssettag $0x0;
	lr =	simm.s32 $0x1  }
0x2: {  	[smem:$0x3F9F] =	sst lr;
	_ =	strace $0xD0000000  }
0x3: {  	_ = 	snop  }
0x4: {  	_ = 	snop  }
0x5: {  	_ = 	snop  }
0x6: {  	_ = 	snop  }
0x7: {  	_ = 	snop  }
__scs_overlays_trampoline_lowered:
0x8: {  	[smem:$0x3FAE] =	sst s0  }
0x9: {  	[smem:$0x3FAF] =	sst s1  }
0xa: {  	[smem:$0x3FB0] =	sst s2  }
0xb: {  	[smem:$0x3FB1] =	sst s3  }
0xc: {  	[smem:$0x3FB2] =	sst s4  }
0xd: {  	[smem:$0x3FB3] =	sst s5  }
0xe: {  	[smem:$0x3FB4] =	sst s6  }
0xf: {  	[smem:$0x3FB5] =	sst s7  }
0x10: {  	[smem:$0x3FB6] =	sst s8  }
0x11: {  	[smem:$0x3FB7] =	sst s9;
	s0 =	simm.s32 @!p0 $0x0  }
0x12: {  	s1 =	sld [smem:$0x3F9D];
	s0 =	simm.s32 @p0 $0x1  }
0x13: {  	[smem:$0x3FB8] =	sst s0;
	s0 =	simm.s32 @!p1 $0x0  }
0x14: {  	s2 =	sld [smem:$0x3F9C];
	s0 =	simm.s32 @p1 $0x1  }
0x15: {  	[smem:$0x3FB9] =	sst s0;
	s0 =	simm.s32 @!p2 $0x0  }
0x16: {  	s3 =	sld [smem:$0x3FDB];
	s0 =	simm.s32 @p2 $0x1  }
0x17: {  	s4 =	simm.s32 $0x1BF5;
	[smem:$0x3FBB] =	sst s0  }
0x18: {  	s0 =	sld [smem:$0x3F9E];
	_ =	swait.ge [sflag:s4], $0x0  }
0x19: {  	s7 =	sld [smem:$0x3F9F]  }
0x1a: {  	s8 =	sadd.s32 $0xFFFFE003, lr  }
0x1b: {  	s9 =	sadd.s32 $0xFFFFFEF7, lr;
	s5 =	simm.s32 $0xFFFFFFFF;
	p2 =	slt.u32 s8, $0xFFFFF086  }
0x1c: {  	p1 =	slt.u32 s9, $0xF7A;
	s5 =	simm.s32 @!p2 $0x0  }
0x1d: {  	s5 =	simm.s32 @p1 $0x1;
	p0 =	seq.s32 s7, s2  }
0x1e: {  	s7 =	smul.u32 @!p0 $0xF7A, s2;
	p2 =	seq.s32 @!p0 s5, $0x0  }
0x1f: {  	s9 =	smul.u32 $0xF7A, s1;
	s8 =	simm.s32 @!p0 $0x1BF5;
	p2 =	por !p2, p0  }
0x20: {  	[sflag:s8] =	ssyncset.s32 @!p0 $0xFFFFF086;
	s6 =	sadd.s32 @!p0 s3, s7;
	s7 =	simm.s32 @!p0 $0x108  }
0x21: {  	s3 =	sadd.s32 s3, s9;
	s6 =	sadd.s32 @!p0 $0x88, s6;
	s7 =	simm.s32 @p2 $0x1082  }
0x22: {  	[simem:s7], [sflag:s8] =	dma.local @!p0 [hbm:s6], $0xF7A  }
0x23: {  	s9 =	sor.u32 $0xD0000000, s2;
	s6 =	simm.s32 $0x108;
	_ =	swait.ge @!p0 [sflag:s8], $0x0  }
0x24: {  	s3 =	sadd.s32 $0x88, s3;
	s6 =	simm.s32 @!p1 $0x1082;
	[sflag:s4] =	ssyncset.s32 $0xFFFFF086  }
0x25: {  	[simem:s6], [sflag:s4] =	dma.local [hbm:s3], $0xF7A  }
0x26: {  	[smem:$0x3F9F] =	sst s1;
	(tag) =	ssettag s2;
	_ =	strace s9  }
0x27: {  	s1 =	sld [smem:$0x3FAF]  }
0x28: {  	s2 =	sld [smem:$0x3FB0]  }
0x29: {  	s4 =	sld [smem:$0x3FB2]  }
0x2a: {  	p0 =	seq.s32 s5, $0x0;
	s5 =	sld [smem:$0x3FB3]  }
0x2b: {  	s6 =	sld [smem:$0x3FB4]  }
0x2c: {  	s7 =	sld [smem:$0x3FB5]  }
0x2d: {  	s3 =	simm.s32 $0x108;
	s8 =	sld [smem:$0x3FB6]  }
0x2e: {  	s3 =	simm.s32 @!p0 $0x1082;
	s9 =	sld [smem:$0x3FB7]  }
0x2f: {  	lr =	sadd.s32 s0, s3;
	s0 =	sld [smem:$0x3FAE]  }
0x30: {  	s3 =	sld [smem:$0x3FB1]  }
0x31: {  	[smem:$0x3FBA] =	sst s10  }
0x32: {  	s10 =	sld [smem:$0x3FB8];
	_ =	sdelay $0x3  }
0x33: {  	p0 =	seq.s32 s10, $0x1;
	s10 =	sld [smem:$0x3FBA];
	_ =	sdelay $0x3  }
0x34: {  	[smem:$0x3FBA] =	sst s10  }
0x35: {  	s10 =	sld [smem:$0x3FB9];
	_ =	sdelay $0x3  }
0x36: {  	p1 =	seq.s32 s10, $0x1;
	s10 =	sld [smem:$0x3FBA];
	_ =	sdelay $0x3  }
0x37: {  	[smem:$0x3FBA] =	sst s10  }
0x38: {  	s10 =	sld [smem:$0x3FBB]  }
0x39: {  	_ = 	snop;
	(pc) =	sbr.ind lr, $3  }
0x3a: {  	_ = 	snop  }
0x3b: {  	_ = 	snop  }
0x3c: {  	p2 =	seq.s32 s10, $0x1;
	s10 =	sld [smem:$0x3FBA]  }
0x3d: {  	_ =	shalt  }
0x3e: {  	_ =	shalt  }
0x3f: {  	_ =	shalt  }
0x40: {  	_ =	shalt  }
0x41: {  	_ =	shalt  }
0x42: {  	_ =	shalt  }
0x43: {  	_ =	shalt  }
0x44: {  	_ =	shalt  }
0x45: {  	_ =	shalt  }
0x46: {  	_ =	shalt  }
0x47: {  	_ =	shalt  }
0x48: {  	_ =	shalt  }
0x49: {  	_ =	shalt  }
0x4a: {  	_ =	shalt  }
0x4b: {  	_ =	shalt  }
0x4c: {  	_ =	shalt  }
0x4d: {  	_ =	shalt  }
0x4e: {  	_ =	shalt  }
0x4f: {  	_ =	shalt  }
0x50: {  	_ =	shalt  }
0x51: {  	_ =	shalt  }
0x52: {  	_ =	shalt  }
0x53: {  	_ =	shalt  }
0x54: {  	_ =	shalt  }
0x55: {  	_ =	shalt  }
0x56: {  	_ =	shalt  }
0x57: {  	_ =	shalt  }
0x58: {  	_ =	shalt  }
0x59: {  	_ =	shalt  }
0x5a: {  	_ =	shalt  }
0x5b: {  	_ =	shalt  }
0x5c: {  	_ =	shalt  }
0x5d: {  	_ =	shalt  }
0x5e: {  	_ =	shalt  }
0x5f: {  	_ =	shalt  }
0x60: {  	_ =	shalt  }
0x61: {  	_ =	shalt  }
0x62: {  	_ =	shalt  }
0x63: {  	_ =	shalt  }
0x64: {  	_ =	shalt  }
0x65: {  	_ =	shalt  }
0x66: {  	_ =	shalt  }
0x67: {  	_ =	shalt  }
0x68: {  	_ =	shalt  }
0x69: {  	_ =	shalt  }
0x6a: {  	_ =	shalt  }
0x6b: {  	_ =	shalt  }
0x6c: {  	_ =	shalt  }
0x6d: {  	_ =	shalt  }
0x6e: {  	_ =	shalt  }
0x6f: {  	_ =	shalt  }
0x70: {  	_ =	shalt  }
0x71: {  	_ =	shalt  }
0x72: {  	_ =	shalt  }
0x73: {  	_ =	shalt  }
0x74: {  	_ =	shalt  }
0x75: {  	_ =	shalt  }
0x76: {  	_ =	shalt  }
0x77: {  	_ =	shalt  }
0x78: {  	_ =	shalt  }
0x79: {  	_ =	shalt  }
0x7a: {  	_ =	shalt  }
0x7b: {  	_ =	shalt  }
0x7c: {  	_ =	shalt  }
0x7d: {  	_ =	shalt  }
0x7e: {  	_ =	shalt  }
0x7f: {  	_ =	shalt  }
0x80: {  	_ =	shalt  }
0x81: {  	_ =	shalt  }
0x82: {  	_ =	shalt  }
0x83: {  	_ =	shalt  }
0x84: {  	_ =	shalt  }
0x85: {  	_ =	shalt  }
0x86: {  	_ =	shalt  }
0x87: {  	_ =	shalt  }
.Lfunc_end0:
.L_simem_size_0:
called_computation_lowered:
.L_overlay_start_0:
0x88: {  	s2 =	sld [smem:$0x3FD9]  }
0x89: {  	s3 =	sld [smem:$0x3FFE];
	_ =	sdelay $0x1  }
0x8a: {  	s1 =	srdreg.scid  }
0x8b: {  	s0 =	sand.u32 $0x1, s1  }
0x8c: {  	s17 =	sshll.u32 s0, $0xA;
	s2 =	sadd.s32 s3, s2  }
0x8d: {  	s2 =	sadd.s32 s2, s17  }
0x8e: {  	[smem:$0x3FC6] =	sst s2  }
0x8f: {  	_ = 	snop  }
0x90: {  	s2 =	sld [smem:$0x3FD0];
	(tm) =	ssettm $0x1  }
0x91: {  	s18 =	sld [smem:$0x3FFB];
	_ =	sdelay $0x3  }
0x92: {  	_ =	strace s18  }
0x93: {  	s3 =	sld [smem:$0x3FFC];
	_ =	sdelay $0x3  }
0x94: {  	_ =	strace s3  }
0x95: {  	s3 =	sld [smem:$0x3FFD];
	_ =	sdelay $0x3  }
0x96: {  	_ =	strace s3  }
0x97: {  	_ =	strace $0x8FFFFFFF  }
0x98: {  	s19 =	sld [smem:$0x3FDB];
	_ =	sdelay $0x1  }
0x99: {  	s4 =	simm.s32 $_scs_section_size  }
0x9a: {  	s5 =	simm.s32 $_size__tile_overlayer_lowered;
	s6 =	simm.s32 $_tile_overlayer_lowered  }
0x9b: {  	s22 =	simm.s32 $0x1BFF;
	s21 =	sshll.u32 s6, $0x1;
	s3 =	sadd.s32 s4, s19  }
0x9c: {  	s7 =	simm.s32 $0x0;
	s20 =	sshll.u32 s5, $0x1;
	s5 =	sadd.s32 s21, s3  }
0x9d: {  	[timem:s7], [sflag:s22] =	dma.local [hbm:s5], s20  }
0x9e: {  	_ =	swait.ge [sflag:s22], s20  }
0x9f: {  	s4 =	ssub.s32 $0x0, s20;
	[sflag:s22] =	ssyncset.done $0x0  }
0xa0: {  	[sflag:s22] =	ssyncadd.s32 s4;
	_ =	sdelay $0x1  }
0xa1: {  	s23 =	simm.s32 $0x1B8B  }
0xa2: {  	_ =	swait.ge [sflag:s23], $0x1  }
0xa3: {  	[sflag:s23] =	ssyncset.done $0x0  }
0xa4: {  	s25 =	simm.s32 $0x1B8E;
	s24 =	sld [smem:$0x3FFE];
	[sflag:s23] =	ssyncadd.s32 $0xFFFFFFFF  }
0xa5: {  	s26 =	simm.s32 $execute0_lowered;
	[smem:$0x3FD2] =	sst s25  }
0xa6: {  	s5 =	sshll.u32 s26, $0x1;
	_ =	strace $0x80000046;
	[dreg:$0x1] =	wrdreg $0xFFFFFFFF  }
0xa7: {  	s28 =	simm.s32 $_size_execute0_lowered;
	s3 =	sadd.s32 s3, s5;
	[dreg:$0x0] =	wrdreg $0x0  }
0xa8: {  	s5 =	sshll.u32 s28, $0x1;
	[dreg:$0x2] =	wrdreg s3  }
0xa9: {  	[dreg:$0x3] =	wrdreg s5  }
0xaa: {  	[dreg:$0x4] =	wrdreg $0xC0  }
0xab: {  	_ =	task [dreg:s7], $0x5FFFF  }
0xac: {  	[dreg:$0x1] =	wrdreg $0xFFFFFFFF  }
0xad: {  	[dreg:$0x0] =	wrdreg $0x60  }
0xae: {  	[dreg:$0x2] =	wrdreg s24  }
0xaf: {  	[dreg:$0x3] =	wrdreg s2  }
0xb0: {  	[dreg:$0x4] =	wrdreg $0x9  }
0xb1: {  	_ =	task.clear_ibuf [dreg:s7], $0x5FFFF;
	_ =	strace $0x90000046  }
0xb2: {  	s29 =	simm.s32 $0x9;
	_ =	strace $0x80000048  }
0xb3: {  	_ =	swait.ge [sflag:s29], $0x1  }
0xb4: {  	[sflag:s29] =	ssyncadd.s32 $0xFFFFFFFF  }
0xb5: {  	_ =	strace $0x90000048  }
0xb6: {  	_ =	sfence  }
0xb7: {  	s30 =	sld [smem:$0x0];
	_ =	sdelay $0x2  }
0xb8: {  	s31 =	sshll.u32 s1, $0xD;
	s1 =	sshrl.u32 s1, $0x2  }
0xb9: {  	s3 =	sand.u32 $0x4000, s31;
	s1 =	sadd.s32 s1, s30  }
0xba: {  	s0 =	sor.u32 s3, s0;
	s1 =	sshll.u32 s1, $0x11  }
0xbb: {  	s0 =	sor.u32 s1, s0  }
0xbc: {  	s0 =	sadd.s32 $0x8F2B, s0  }
0xbd: {  	[sflag:s0] =	ssyncadd.remote.s32 $0x1  }
0xbe: {  	_ =	sfence.sel $0xFFFF  }
0xbf: {  	[dreg:$0x0] =	wrdreg $0xFFFFFFFF;
	(pc) =	sbr.abs _section_cstart, $3  }
0xc0: {  	[dreg:$0x1] =	wrdreg $0xFFFFFFFF  }
0xc1: {  	_ =	task.clear_ibuf [dreg:s7], $0x2FFFF;
	_ =	strace $0x9FFFFFFF  }
0xc2: {  	(tm) =	ssettm $0x7FFFFFFF  }
0xc3: {  	_ =	shalt  }
tec
execute0_lowered:
.L_overlay_start_1:
0x0: {  	(tag) =	ssettag $0x1  }
0x1: {  	s1 =	srdreg.scid;
	s4 =	rddreg [dreg:$0x0]  }
0x2: {  	s0 =	stileid.u32;
	s2 =	rddreg [dreg:$0x1];
	s3 =	simm.s32 $0x0  }
0x3: {  	s10 =	simm.s32 $0x80;
	s11 =	simm.s32 $0x6400;
	s12 =	simm.s32 $0xA400  }
0x4: {  	s13 =	simm.s32 $0x1;
	s14 =	simm.s32 $0xE400;
	s15 =	simm.s32 $0x12400  }
0x5: {  	s16 =	simm.s32 $0x2;
	s5 =	sand.u32 $0x1, s1;
	s31 =	sshll.u32 s0, $0x1  }
0x6: {  	s17 =	simm.s32 $0x3;
	s18 =	simm.s32 $0x4;
	s7 =	sor.u32 s5, s31  }
0x7: {  	s19 =	simm.s32 $0x0;
	s1 =	rddreg [dreg:$0x2];
	s6 =	smul.u32 $0xC80, s7  }
0x8: {  	[smem:$0x7FF] =	sst s3;
	s8 =	ssub.s32 $0x2, s5;
	s5 =	smul.u32 $0xC8, s7  }
0x9: {  	_ =	strace $0x80000047;
	s9 =	sshrl.u32 s8, $0x1;
	s7 =	smul.u32 $0x190000, s7  }
0xa: {  	s8 =	ssub.s32 s8, s9;
	s9 =	simm.s32 $0x5;
	s6 =	sadd.s32 s6, s4  }
0xb: {  	s4 =	sadd.s32 $0x19400, s4;
	s8 =	smax.u32 s8, $0x1;
	s6 =	sadd.s32 $0x400, s6  }
.LBB2_1:
0xc: {  	[tilespmem:s3], [sflag:$0x5] =	stream.linear.gather [hbm4b:s6+s3], $0x6400, $0x38;
	[tilespmem:$0x16400] =	vst v63  }
0xd: {  	_ =	swait.ge [sflag:s9], $0x6400  }
0xe: {  	[sflag:s9] =	ssyncset.done $0x0  }
0xf: {  	[sflag:s9] =	ssyncadd.s32 $0xFFFF9C00  }
0x10: {  	[tilespmem:s11], [sflag:$0x1] =	stream.indirect.gather [hbm4b:s4+s10], $0x80, s3, s10, $0xb8;
	[tilespmem:$0x16400] =	vst v63  }
0x11: {  	s20 =	simm.s32 $0x0  }
0x12: {  	[tilespmem:s12], [sflag:$0x1] =	stream.indirect.gather [hbm4b:s4+s10], $0x80, s10, s10, $0xb8;
	[tilespmem:$0x16400] =	vst v63  }
.LBB2_2:
0x13: {  	_ =	swait.ge [sflag:s13], $0x4000  }
0x14: {  	[sflag:s13] =	ssyncset.done $0x0  }
0x15: {  	p0 =	seq.s32 s20, $0x0;
	s21 =	sshll.u32 s20, $0x2;
	[sflag:s13] =	ssyncadd.s32 $0xFFFFC000  }
0x16: {  	s29 =	sshll.u32 s20, $0x9;
	s31 =	sshll.u32 s20, $0xF;
	_ =	swait.ge [sflag:s13], $0x4000  }
0x17: {  	s24 =	simm.s32 $0x6400;
	s21 =	sor.u32 $0x2, s21;
	[sflag:s13] =	ssyncset.done $0x0  }
0x18: {  	s22 =	simm.s32 @!p0 $0x4;
	s23 =	sshll.u32 s21, $0x7;
	[sflag:s13] =	ssyncadd.s32 $0xFFFFC000  }
0x19: {  	s26 =	sand.u32 $0x3FFFFF00, s23;
	s23 =	sadd.s32 s7, s31;
	_ =	swait.ge @!p0 [sflag:s22], $0x4000  }
0x1a: {  	s25 =	simm.s32 $0x8;
	s23 =	sshrl.u32 s23, $0x3;
	[sflag:s22] =	ssyncset.done @!p0 $0x0  }
0x1b: {  	s23 =	sadd.s32 s2, s23;
	[sflag:s22] =	ssyncadd.s32 @!p0 $0xFFFFC000;
	s22 =	sand.u32 $0x3FFFFE00, s29  }
0x1c: {  	[tilespmem:s14], [sflag:$0x2] =	stream.indirect.gather [hbm4b:s4+s10], $0x80, s26, s10, $0xb8;
	[tilespmem:$0x16400] =	vst v63  }
0x1d: {  	s28 =	sadd.s32 $0x0, s23;
	s30 =	sor.u32 $0x180, s22;
	s26 =	simm.s32 $0x6480  }
0x1e: {  	[tilespmem:s15], [sflag:$0x2] =	stream.indirect.gather [hbm4b:s4+s10], $0x80, s30, s10, $0xb8;
	[tilespmem:$0x16400] =	vst v63  }
.LBB2_3:
0x1f: {  	[hbm4b:s28+s3] =	stream.linear.scatter [tilespmem:s24], [sflag:$0x3], $0x40, $0x38;
	[tilespmem:$0x16400] =	vst v63  }
0x20: {  	s28 =	smov.u32 s25;
	s24 =	smov.u32 s26;
	p0 =	sne.s32 s25, $0x7F8  }
.Ltmp0:
0x21: {  	s25 =	sadd.s32 $0x8, s25;
	(pc) =	sbr.rel @p0 .LBB2_3-.Ltmp0, $2  }
0x22: {  	_ =	sdelay $0x2  }
0x23: {  	s26 =	sadd.s32 $0x80, s26;
	s28 =	sadd.s32 s28, s23  }
0x24: {  	[hbm4b:s28+s3] =	stream.linear.scatter [tilespmem:s24], [sflag:$0x3], $0x40, $0x38;
	[tilespmem:$0x16400] =	vst v63  }
0x25: {  	_ =	swait.ge [sflag:s16], $0x4000  }
0x26: {  	[sflag:s16] =	ssyncset.done $0x0  }
0x27: {  	[sflag:s16] =	ssyncadd.s32 $0xFFFFC000  }
0x28: {  	_ =	swait.ge [sflag:s16], $0x4000  }
0x29: {  	[sflag:s16] =	ssyncset.done $0x0  }
0x2a: {  	p0 =	seq.s32 s20, $0x31;
	s21 =	sadd.s32 s5, s21;
	[sflag:s16] =	ssyncadd.s32 $0xFFFFC000  }
0x2b: {  	s23 =	sadd.s32 @!p0 $0x200, s22;
	s21 =	sshll.u32 s21, $0xA;
	_ =	swait.ge [sflag:s17], $0x4000  }
0x2c: {  	s24 =	simm.s32 @!p0 $0x80;
	s21 =	sand.u32 $0x1FFFF800, s21;
	[sflag:s17] =	ssyncset.done $0x0  }
0x2d: {  	s25 =	simm.s32 @!p0 $0x6400;
	s21 =	sadd.s32 s2, s21;
	[sflag:s17] =	ssyncadd.s32 $0xFFFFC000  }
0x2e: {  	[tilespmem:s25], [sflag:$0x1] =	stream.indirect.gather @!p0 [hbm4b:s4+s24], $0x80, s23, s24, $0xb8;
	[tilespmem:$0x16400] =	vst v63  }
0x2f: {  	s22 =	sadd.s32 @!p0 $0x280, s22;
	s23 =	simm.s32 @!p0 $0xA400;
	s25 =	sadd.s32 $0x0, s21  }
0x30: {  	[tilespmem:s23], [sflag:$0x1] =	stream.indirect.gather @!p0 [hbm4b:s4+s24], $0x80, s22, s24, $0xb8;
	[tilespmem:$0x16400] =	vst v63  }
0x31: {  	s22 =	simm.s32 $0xE400;
	s23 =	simm.s32 $0x8;
	s24 =	simm.s32 $0xE480  }
.LBB2_5:
0x32: {  	[hbm4b:s25+s3] =	stream.linear.scatter [tilespmem:s22], [sflag:$0x4], $0x40, $0x38;
	[tilespmem:$0x16400] =	vst v63  }
0x33: {  	s25 =	smov.u32 s23;
	s22 =	smov.u32 s24;
	p0 =	sne.s32 s23, $0x7F8  }
.Ltmp1:
0x34: {  	s23 =	sadd.s32 $0x8, s23;
	(pc) =	sbr.rel @p0 .LBB2_5-.Ltmp1, $2  }
0x35: {  	_ =	sdelay $0x2  }
0x36: {  	s24 =	sadd.s32 $0x80, s24;
	s25 =	sadd.s32 s25, s21  }
0x37: {  	s20 =	sadd.s32 $0x1, s20  }
0x38: {  	p0 =	sne.s32 s20, $0x32  }
.Ltmp2:
0x39: {  	_ = 	snop;
	(pc) =	sbr.rel @p0 .LBB2_2-.Ltmp2, $2  }
0x3a: {  	_ =	sdelay $0x2  }
0x3b: {  	[hbm4b:s25+s3] =	stream.linear.scatter [tilespmem:s22], [sflag:$0x4], $0x40, $0x38;
	[tilespmem:$0x16400] =	vst v63  }
0x3c: {  	s19 =	sadd.s32 $0x1, s19  }
0x3d: {  	p0 =	sne.s32 s19, s8  }
.Ltmp3:
0x3e: {  	_ = 	snop;
	(pc) =	sbr.rel @p0 .LBB2_1-.Ltmp3, $4  }
0x3f: {  	_ = 	snop  }
0x40: {  	_ =	swait.ge [sflag:s18], $0x4000  }
0x41: {  	[sflag:s18] =	ssyncset.done $0x0  }
0x42: {  	[sflag:s18] =	ssyncadd.s32 $0xFFFFC000  }
0x43: {  	_ =	sfence.sel $0x180000  }
0x44: {  	[bflag:$0x0] =	sbarrier.arrive $0xFFFF  }
0x45: {  	p0 =	sne.s32 s0, $0x0;
	_ =	strace $0x90000047  }
0x46: {  	s0 =	sadd.s32 @!p0 $0x100000, s1;
	[bflag:$0x2] =	sbarrier.arrive $0xFFFF  }
0x47: {  	[sflag:s0] =	ssyncadd.tile.s32 @!p0 $0x1;
	_ =	shalt  }
.Lfunc_end2:
_tile_overlayer_lowered:
.L_overlay_start_2:
0x48: {  	(tag) =	ssettag $0x2  }
0x49: {  	s0 =	rddreg [dreg:$0x0];
	s2 =	stileid.u32  }
0x4a: {  	s1 =	rddreg [dreg:$0x1];
	p0 =	sne.s32 s2, $0x0  }
0x4b: {  	s3 =	rddreg [dreg:$0x2];
	[bflag:$0x3] =	sbarrier.arrive $0xFFFF;
	s2 =	simm.s32 @!p0 $0x1C05  }
0x4c: {  	[timem:s3], [sflag:s2] =	dma.local @!p0 [hbm:s0], s1  }
0x4d: {  	s0 =	simm.s32 @!p0 $0x5  }
0x4e: {  	_ =	swait.ge @!p0 [sflag:s0], s1  }
0x4f: {  	s1 =	ssub.s32 @!p0 $0x0, s1;
	[sflag:s0] =	ssyncset.done @!p0 $0x0  }
0x50: {  	[sflag:s0] =	ssyncadd.s32 @!p0 s1  }
0x51: {  	[bflag:$0x3] =	sbarrier.arrive $0xFFFF  }
0x52: {  	_ =	shalt  }

</sc_bundles>
